<compile_context>
chip_gen: v7x
topology: tpu7x:2x2x1
jax: 0.10.2.dev20260603
libtpu: 0.0.44.dev20260713+nightly
codegen_flags: <defaults>
</compile_context>

<pallas_src>
import jax
import jax.numpy as jnp
from jax import lax
from jax.experimental import pallas as pl
from jax.experimental.pallas import tpu as pltpu
from jax.experimental.pallas import tpu_sc as plsc

B, H, KV, DH = 16, 16, 4096, 128
BH = B * H
NC, NS = 2, 16
NW = NC * NS
RPW = (BH * KV) // NW
CH = 256
PAIRS = RPW // (2 * CH)
SC_BH = BH // NW


def _sc_full_body(cache_hbm, cur_hbm, rows_hbm, out_hbm,
                  buf0, buf1, idx_v, crow_v, in_sems, out_sems, ssem):
    wid = lax.axis_index("s") * NC + lax.axis_index("c")
    base = wid * RPW
    bufs = (buf0, buf1)

    @pl.loop(0, PAIRS)
    def _(cc):
        c0 = base + (2 * cc) * CH
        ins = [
            pltpu.make_async_copy(
                cache_hbm.at[pl.ds(c0 + b * CH, CH)], bufs[b], in_sems.at[b])
            for b in range(2)
        ]
        outs = [
            pltpu.make_async_copy(
                bufs[b], out_hbm.at[pl.ds(c0 + b * CH, CH)], out_sems.at[b])
            for b in range(2)
        ]
        for cp in ins:
            cp.start()
        for cp in ins:
            cp.wait()
        for cp in outs:
            cp.start()
        for cp in outs:
            cp.wait()

    sbase = wid * SC_BH
    pltpu.sync_copy(rows_hbm.at[pl.ds(sbase, SC_BH)], idx_v)
    pltpu.sync_copy(cur_hbm.at[pl.ds(sbase, SC_BH)], crow_v)
    pltpu.async_copy(crow_v, out_hbm.at[idx_v], ssem).wait()


_sc_full = pl.kernel(
    _sc_full_body,
    out_type=jax.ShapeDtypeStruct((BH * KV, DH), jnp.float32),
    mesh=plsc.VectorSubcoreMesh(core_axis_name="c", subcore_axis_name="s"),
    scratch_types=[
        pltpu.VMEM((CH, DH), jnp.float32),
        pltpu.VMEM((CH, DH), jnp.float32),
        pltpu.VMEM((SC_BH,), jnp.int32),
        pltpu.VMEM((SC_BH, DH), jnp.float32),
        pltpu.SemaphoreType.DMA((2,)),
        pltpu.SemaphoreType.DMA((2,)),
        pltpu.SemaphoreType.DMA,
    ],
)


def kernel(cur, dim, idx, cache):
    del dim
    cache2 = cache.reshape(BH * KV, DH)
    cur2 = cur.reshape(BH, DH)
    rows = jnp.arange(BH, dtype=jnp.int32) * KV + (idx[0] - 1)
    out = _sc_full(cache2, cur2, rows)
    return out.reshape(B, H, KV, DH)

# --- scband reference (transcript-rebuilt; emitter-appended) ---
"""Pipeline reference for scband-kvcache-24575802868308 (READ-ONLY COPY).

The authoritative reference and input builder live on the scoring server;
editing this copy changes nothing except your own understanding.
"""

import jax, jax.numpy as jnp
import numpy as np

B, H, KV, DH = 16, 16, 4096, 128
INP_SEQ_LEN = 1024  # only used in prefill branch; decode path (cur seq len == 1) does not use it


def setup_inputs(seed: int = 0) -> dict:
    key = jax.random.key(seed)
    k1, k2 = jax.random.split(key)
    # current decode-step kv tensor [B, H, 1, DH]
    cur = jax.random.normal(k1, (B, H, 1, DH), dtype=jnp.float32)
    # write position index (1-based in original torch code: prev.index_copy_(dim, idx - 1, cur))
    idx = jnp.ones((1,), dtype=jnp.int32)  # idx=1 -> writes slot 0; in-range for any kv_len
    # persistent kv-cache buffer (module state in torch, materialized here as a param)
    cache = jnp.zeros((B, H, KV, DH), dtype=jnp.float32)
    dim = 2
    return {"cur": cur, "dim": dim, "idx": idx, "cache": cache}


def reference(cur, dim, idx, cache):
    # Faithful translation of update(prev=self.cache, cur, dim, idx, inp_seq_len)
    inp_seq_len = INP_SEQ_LEN
    if cur.shape[2] > 1 and cur.shape[2] <= cache.shape[2]:
        # prefill branch: copy cur into the first inp_seq_len slots; torch returns orig_cur
        # (cache side-effect is in-place in torch; functional update shown for completeness)
        _ = cache.at[:, :, :inp_seq_len, :].set(cur)
        return cur
    assert cur.shape[2] == 1, f"Cannot update kv-cache. Unsupported shapes. prev:{cache.shape} cur:{cur.shape}"
    if idx is not None:
        # torch: prev.index_copy_(dim, idx - 1, cur); dim == 2 for [B,H,S,D] layout
        prev = cache.at[:, :, idx - 1, :].set(cur)
        return prev.astype(cur.dtype)
    else:
        return jnp.concatenate((cache, cur), axis=dim)

if __name__ == "__main__":
    import jax
    _d = setup_inputs()
    print(jax.jit(kernel)(*tuple(_d.values())))

</pallas_src>

<mosaic_0001>
#map = affine_map<(d0, d1) -> (0, 0)>
#map1 = affine_map<(d0, d1) -> (0)>
module attributes {stable_mosaic.version = 14 : i64} {
  func.func @_sc_full_body(%arg0: i32, %arg1: i32, %arg2: memref<1048576x128xf32, #tpu.memory_space<hbm>>, %arg3: memref<256x128xf32, #tpu.memory_space<hbm>>, %arg4: memref<256xi32, #tpu.memory_space<hbm>>, %arg5: memref<1048576x128xf32, #tpu.memory_space<hbm>>, %arg6: memref<256x128xf32, #tpu.memory_space<vmem>>, %arg7: memref<256x128xf32, #tpu.memory_space<vmem>>, %arg8: memref<8xi32, #tpu.memory_space<vmem>>, %arg9: memref<8x128xf32, #tpu.memory_space<vmem>>, %arg10: memref<2x!tpu.dma_semaphore, #tpu.memory_space<semaphore_mem>>, %arg11: memref<2x!tpu.dma_semaphore, #tpu.memory_space<semaphore_mem>>, %arg12: memref<!tpu.dma_semaphore, #tpu.memory_space<semaphore_mem>>) attributes {dimension_semantics = [#tpu.dimension_semantics<core_parallel>, #tpu.dimension_semantics<subcore_parallel>], iteration_bounds = array<i64: 2, 16>, scalar_prefetch = 0 : i64, scratch_operands = 7 : i64, tpu.core_type = #tpu.core_type<sc_vector_subcore>, window_params = [{transform_indices = #map}, {transform_indices = #map}, {transform_indices = #map1}, {transform_indices = #map}]} {
    %mul3A = arith.constant 2 : i32
    %mul3A_0 = arith.muli %arg1, %mul3A : i32
    %add3A = arith.addi %mul3A_0, %arg0 : i32
    %mul3A_1 = arith.constant 32768 : i32
    %mul3A_2 = arith.muli %add3A, %mul3A_1 : i32
    %scan3A = arith.constant 0 : i32
    %scan3A_3 = arith.constant 64 : i32
    %scan3A_4 = arith.addi %scan3A, %scan3A_3 : i32
    %scan3A_5 = arith.constant 1 : i32
    scf.for %scan3A_13 = %scan3A to %scan3A_4 step %scan3A_5  : i32 {
      %mul3A_14 = arith.constant 1 : i32
      %mul3A_15 = arith.muli %scan3A_13, %mul3A_14 : i32
      %add3A_16 = arith.constant 0 : i32
      %add3A_17 = arith.addi %add3A_16, %mul3A_15 : i32
      %mul3A_18 = arith.constant 2 : i32
      %mul3A_19 = arith.muli %mul3A_18, %add3A_17 : i32
      %mul3A_20 = arith.constant 256 : i32
      %mul3A_21 = arith.muli %mul3A_19, %mul3A_20 : i32
      %add3A_22 = arith.addi %mul3A_2, %mul3A_21 : i32
      %add3A_23 = arith.constant 0 : i32
      %add3A_24 = arith.addi %add3A_22, %add3A_23 : i32
      %add3A_25 = arith.constant 256 : i32
      %add3A_26 = arith.addi %add3A_22, %add3A_25 : i32
      %add3A_27 = arith.constant 0 : i32
      %add3A_28 = arith.addi %add3A_22, %add3A_27 : i32
      %add3A_29 = arith.constant 256 : i32
      %add3A_30 = arith.addi %add3A_22, %add3A_29 : i32
      %dma_start3A_31 = arith.constant 0 : i32
      %dma_start3A_32 = arith.constant 0 : i32
      %dma_start3A_33 = tpu.memref_slice %arg2[%add3A_24, %dma_start3A_32] : memref<1048576x128xf32, #tpu.memory_space<hbm>> -> memref<256x128xf32, #tpu.memory_space<hbm>>
      %dma_start3A_34 = tpu.memref_slice %arg10[%dma_start3A_31] : memref<2x!tpu.dma_semaphore, #tpu.memory_space<semaphore_mem>> -> memref<1x!tpu.dma_semaphore, #tpu.memory_space<semaphore_mem>>
      %dma_start3A_35 = tpu.memref_squeeze %dma_start3A_34 : memref<1x!tpu.dma_semaphore, #tpu.memory_space<semaphore_mem>> -> memref<!tpu.dma_semaphore, #tpu.memory_space<semaphore_mem>>
      %dma_start3A_36 = arith.constant 0 : i32
      %dma_start3A_37 = tpu.memref_slice %arg2[%add3A_24, %dma_start3A_36] : memref<1048576x128xf32, #tpu.memory_space<hbm>> -> memref<256x128xf32, #tpu.memory_space<hbm>>
      tpu.enqueue_dma source(%dma_start3A_37 : memref<256x128xf32, #tpu.memory_space<hbm>>) target(%arg6 : memref<256x128xf32, #tpu.memory_space<vmem>>) target_semaphore(%dma_start3A_35 : memref<!tpu.dma_semaphore, #tpu.memory_space<semaphore_mem>>)
      %dma_start3A_38 = arith.constant 1 : i32
      %dma_start3A_39 = arith.constant 0 : i32
      %dma_start3A_40 = tpu.memref_slice %arg2[%add3A_26, %dma_start3A_39] : memref<1048576x128xf32, #tpu.memory_space<hbm>> -> memref<256x128xf32, #tpu.memory_space<hbm>>
      %dma_start3A_41 = tpu.memref_slice %arg10[%dma_start3A_38] : memref<2x!tpu.dma_semaphore, #tpu.memory_space<semaphore_mem>> -> memref<1x!tpu.dma_semaphore, #tpu.memory_space<semaphore_mem>>
      %dma_start3A_42 = tpu.memref_squeeze %dma_start3A_41 : memref<1x!tpu.dma_semaphore, #tpu.memory_space<semaphore_mem>> -> memref<!tpu.dma_semaphore, #tpu.memory_space<semaphore_mem>>
      %dma_start3A_43 = arith.constant 0 : i32
      %dma_start3A_44 = tpu.memref_slice %arg2[%add3A_26, %dma_start3A_43] : memref<1048576x128xf32, #tpu.memory_space<hbm>> -> memref<256x128xf32, #tpu.memory_space<hbm>>
      tpu.enqueue_dma source(%dma_start3A_44 : memref<256x128xf32, #tpu.memory_space<hbm>>) target(%arg7 : memref<256x128xf32, #tpu.memory_space<vmem>>) target_semaphore(%dma_start3A_42 : memref<!tpu.dma_semaphore, #tpu.memory_space<semaphore_mem>>)
      %dma_wait3A_45 = arith.constant 0 : i32
      %dma_wait3A_46 = arith.constant 0 : i32
      %dma_wait3A_47 = tpu.memref_slice %arg2[%add3A_24, %dma_wait3A_46] : memref<1048576x128xf32, #tpu.memory_space<hbm>> -> memref<256x128xf32, #tpu.memory_space<hbm>>
      %dma_wait3A_48 = tpu.memref_slice %arg10[%dma_wait3A_45] : memref<2x!tpu.dma_semaphore, #tpu.memory_space<semaphore_mem>> -> memref<1x!tpu.dma_semaphore, #tpu.memory_space<semaphore_mem>>
      %dma_wait3A_49 = tpu.memref_squeeze %dma_wait3A_48 : memref<1x!tpu.dma_semaphore, #tpu.memory_space<semaphore_mem>> -> memref<!tpu.dma_semaphore, #tpu.memory_space<semaphore_mem>>
      %dma_wait3A_50 = arith.constant 0 : i32
      %dma_wait3A_51 = tpu.memref_slice %arg2[%add3A_24, %dma_wait3A_50] : memref<1048576x128xf32, #tpu.memory_space<hbm>> -> memref<256x128xf32, #tpu.memory_space<hbm>>
      tpu.wait_dma2 semaphore(%dma_wait3A_49 : memref<!tpu.dma_semaphore, #tpu.memory_space<semaphore_mem>>) src(%dma_wait3A_51 : memref<256x128xf32, #tpu.memory_space<hbm>>) dst(%arg6 : memref<256x128xf32, #tpu.memory_space<vmem>>)
      %dma_wait3A_52 = arith.constant 1 : i32
      %dma_wait3A_53 = arith.constant 0 : i32
      %dma_wait3A_54 = tpu.memref_slice %arg2[%add3A_26, %dma_wait3A_53] : memref<1048576x128xf32, #tpu.memory_space<hbm>> -> memref<256x128xf32, #tpu.memory_space<hbm>>
      %dma_wait3A_55 = tpu.memref_slice %arg10[%dma_wait3A_52] : memref<2x!tpu.dma_semaphore, #tpu.memory_space<semaphore_mem>> -> memref<1x!tpu.dma_semaphore, #tpu.memory_space<semaphore_mem>>
      %dma_wait3A_56 = tpu.memref_squeeze %dma_wait3A_55 : memref<1x!tpu.dma_semaphore, #tpu.memory_space<semaphore_mem>> -> memref<!tpu.dma_semaphore, #tpu.memory_space<semaphore_mem>>
      %dma_wait3A_57 = arith.constant 0 : i32
      %dma_wait3A_58 = tpu.memref_slice %arg2[%add3A_26, %dma_wait3A_57] : memref<1048576x128xf32, #tpu.memory_space<hbm>> -> memref<256x128xf32, #tpu.memory_space<hbm>>
      tpu.wait_dma2 semaphore(%dma_wait3A_56 : memref<!tpu.dma_semaphore, #tpu.memory_space<semaphore_mem>>) src(%dma_wait3A_58 : memref<256x128xf32, #tpu.memory_space<hbm>>) dst(%arg7 : memref<256x128xf32, #tpu.memory_space<vmem>>)
      %dma_start3A_59 = arith.constant 0 : i32
      %dma_start3A_60 = arith.constant 0 : i32
      %dma_start3A_61 = tpu.memref_slice %arg5[%add3A_28, %dma_start3A_60] : memref<1048576x128xf32, #tpu.memory_space<hbm>> -> memref<256x128xf32, #tpu.memory_space<hbm>>
      %dma_start3A_62 = tpu.memref_slice %arg11[%dma_start3A_59] : memref<2x!tpu.dma_semaphore, #tpu.memory_space<semaphore_mem>> -> memref<1x!tpu.dma_semaphore, #tpu.memory_space<semaphore_mem>>
      %dma_start3A_63 = tpu.memref_squeeze %dma_start3A_62 : memref<1x!tpu.dma_semaphore, #tpu.memory_space<semaphore_mem>> -> memref<!tpu.dma_semaphore, #tpu.memory_space<semaphore_mem>>
      %dma_start3A_64 = arith.constant 0 : i32
      %dma_start3A_65 = tpu.memref_slice %arg5[%add3A_28, %dma_start3A_64] : memref<1048576x128xf32, #tpu.memory_space<hbm>> -> memref<256x128xf32, #tpu.memory_space<hbm>>
      tpu.enqueue_dma source(%arg6 : memref<256x128xf32, #tpu.memory_space<vmem>>) target(%dma_start3A_65 : memref<256x128xf32, #tpu.memory_space<hbm>>) target_semaphore(%dma_start3A_63 : memref<!tpu.dma_semaphore, #tpu.memory_space<semaphore_mem>>)
      %dma_start3A_66 = arith.constant 1 : i32
      %dma_start3A_67 = arith.constant 0 : i32
      %dma_start3A_68 = tpu.memref_slice %arg5[%add3A_30, %dma_start3A_67] : memref<1048576x128xf32, #tpu.memory_space<hbm>> -> memref<256x128xf32, #tpu.memory_space<hbm>>
      %dma_start3A_69 = tpu.memref_slice %arg11[%dma_start3A_66] : memref<2x!tpu.dma_semaphore, #tpu.memory_space<semaphore_mem>> -> memref<1x!tpu.dma_semaphore, #tpu.memory_space<semaphore_mem>>
      %dma_start3A_70 = tpu.memref_squeeze %dma_start3A_69 : memref<1x!tpu.dma_semaphore, #tpu.memory_space<semaphore_mem>> -> memref<!tpu.dma_semaphore, #tpu.memory_space<semaphore_mem>>
      %dma_start3A_71 = arith.constant 0 : i32
      %dma_start3A_72 = tpu.memref_slice %arg5[%add3A_30, %dma_start3A_71] : memref<1048576x128xf32, #tpu.memory_space<hbm>> -> memref<256x128xf32, #tpu.memory_space<hbm>>
      tpu.enqueue_dma source(%arg7 : memref<256x128xf32, #tpu.memory_space<vmem>>) target(%dma_start3A_72 : memref<256x128xf32, #tpu.memory_space<hbm>>) target_semaphore(%dma_start3A_70 : memref<!tpu.dma_semaphore, #tpu.memory_space<semaphore_mem>>)
      %dma_wait3A_73 = arith.constant 0 : i32
      %dma_wait3A_74 = arith.constant 0 : i32
      %dma_wait3A_75 = tpu.memref_slice %arg5[%add3A_28, %dma_wait3A_74] : memref<1048576x128xf32, #tpu.memory_space<hbm>> -> memref<256x128xf32, #tpu.memory_space<hbm>>
      %dma_wait3A_76 = tpu.memref_slice %arg11[%dma_wait3A_73] : memref<2x!tpu.dma_semaphore, #tpu.memory_space<semaphore_mem>> -> memref<1x!tpu.dma_semaphore, #tpu.memory_space<semaphore_mem>>
      %dma_wait3A_77 = tpu.memref_squeeze %dma_wait3A_76 : memref<1x!tpu.dma_semaphore, #tpu.memory_space<semaphore_mem>> -> memref<!tpu.dma_semaphore, #tpu.memory_space<semaphore_mem>>
      %dma_wait3A_78 = arith.constant 0 : i32
      %dma_wait3A_79 = tpu.memref_slice %arg5[%add3A_28, %dma_wait3A_78] : memref<1048576x128xf32, #tpu.memory_space<hbm>> -> memref<256x128xf32, #tpu.memory_space<hbm>>
      tpu.wait_dma2 semaphore(%dma_wait3A_77 : memref<!tpu.dma_semaphore, #tpu.memory_space<semaphore_mem>>) src(%arg6 : memref<256x128xf32, #tpu.memory_space<vmem>>) dst(%dma_wait3A_79 : memref<256x128xf32, #tpu.memory_space<hbm>>)
      %dma_wait3A_80 = arith.constant 1 : i32
      %dma_wait3A_81 = arith.constant 0 : i32
      %dma_wait3A_82 = tpu.memref_slice %arg5[%add3A_30, %dma_wait3A_81] : memref<1048576x128xf32, #tpu.memory_space<hbm>> -> memref<256x128xf32, #tpu.memory_space<hbm>>
      %dma_wait3A_83 = tpu.memref_slice %arg11[%dma_wait3A_80] : memref<2x!tpu.dma_semaphore, #tpu.memory_space<semaphore_mem>> -> memref<1x!tpu.dma_semaphore, #tpu.memory_space<semaphore_mem>>
      %dma_wait3A_84 = tpu.memref_squeeze %dma_wait3A_83 : memref<1x!tpu.dma_semaphore, #tpu.memory_space<semaphore_mem>> -> memref<!tpu.dma_semaphore, #tpu.memory_space<semaphore_mem>>
      %dma_wait3A_85 = arith.constant 0 : i32
      %dma_wait3A_86 = tpu.memref_slice %arg5[%add3A_30, %dma_wait3A_85] : memref<1048576x128xf32, #tpu.memory_space<hbm>> -> memref<256x128xf32, #tpu.memory_space<hbm>>
      tpu.wait_dma2 semaphore(%dma_wait3A_84 : memref<!tpu.dma_semaphore, #tpu.memory_space<semaphore_mem>>) src(%arg7 : memref<256x128xf32, #tpu.memory_space<vmem>>) dst(%dma_wait3A_86 : memref<256x128xf32, #tpu.memory_space<hbm>>)
    }
    %scan3A_6 = arith.constant 64 : i32
    %mul3A_7 = arith.constant 8 : i32
    %mul3A_8 = arith.muli %add3A, %mul3A_7 : i32
    "tpu.region"() ({
      %run_scoped3A = tpu.sem_alloc : memref<!tpu.dma_semaphore, #tpu.memory_space<semaphore_mem>>
      %dma_start3A_13 = tpu.memref_slice %arg4[%mul3A_8] : memref<256xi32, #tpu.memory_space<hbm>> -> memref<8xi32, #tpu.memory_space<hbm>>
      %dma_start3A_14 = tpu.memref_slice %arg4[%mul3A_8] : memref<256xi32, #tpu.memory_space<hbm>> -> memref<8xi32, #tpu.memory_space<hbm>>
      tpu.enqueue_dma source(%dma_start3A_14 : memref<8xi32, #tpu.memory_space<hbm>>) target(%arg8 : memref<8xi32, #tpu.memory_space<vmem>>) target_semaphore(%run_scoped3A : memref<!tpu.dma_semaphore, #tpu.memory_space<semaphore_mem>>)
      %dma_wait3A_15 = tpu.memref_slice %arg4[%mul3A_8] : memref<256xi32, #tpu.memory_space<hbm>> -> memref<8xi32, #tpu.memory_space<hbm>>
      %dma_wait3A_16 = tpu.memref_slice %arg4[%mul3A_8] : memref<256xi32, #tpu.memory_space<hbm>> -> memref<8xi32, #tpu.memory_space<hbm>>
      tpu.wait_dma2 semaphore(%run_scoped3A : memref<!tpu.dma_semaphore, #tpu.memory_space<semaphore_mem>>) src(%dma_wait3A_16 : memref<8xi32, #tpu.memory_space<hbm>>) dst(%arg8 : memref<8xi32, #tpu.memory_space<vmem>>)
      tpu.yield
    }) : () -> ()
    "tpu.region"() ({
      %run_scoped3A = tpu.sem_alloc : memref<!tpu.dma_semaphore, #tpu.memory_space<semaphore_mem>>
      %dma_start3A_13 = arith.constant 0 : i32
      %dma_start3A_14 = tpu.memref_slice %arg3[%mul3A_8, %dma_start3A_13] : memref<256x128xf32, #tpu.memory_space<hbm>> -> memref<8x128xf32, #tpu.memory_space<hbm>>
      %dma_start3A_15 = arith.constant 0 : i32
      %dma_start3A_16 = tpu.memref_slice %arg3[%mul3A_8, %dma_start3A_15] : memref<256x128xf32, #tpu.memory_space<hbm>> -> memref<8x128xf32, #tpu.memory_space<hbm>>
      tpu.enqueue_dma source(%dma_start3A_16 : memref<8x128xf32, #tpu.memory_space<hbm>>) target(%arg9 : memref<8x128xf32, #tpu.memory_space<vmem>>) target_semaphore(%run_scoped3A : memref<!tpu.dma_semaphore, #tpu.memory_space<semaphore_mem>>)
      %dma_wait3A_17 = arith.constant 0 : i32
      %dma_wait3A_18 = tpu.memref_slice %arg3[%mul3A_8, %dma_wait3A_17] : memref<256x128xf32, #tpu.memory_space<hbm>> -> memref<8x128xf32, #tpu.memory_space<hbm>>
      %dma_wait3A_19 = arith.constant 0 : i32
      %dma_wait3A_20 = tpu.memref_slice %arg3[%mul3A_8, %dma_wait3A_19] : memref<256x128xf32, #tpu.memory_space<hbm>> -> memref<8x128xf32, #tpu.memory_space<hbm>>
      tpu.wait_dma2 semaphore(%run_scoped3A : memref<!tpu.dma_semaphore, #tpu.memory_space<semaphore_mem>>) src(%dma_wait3A_20 : memref<8x128xf32, #tpu.memory_space<hbm>>) dst(%arg9 : memref<8x128xf32, #tpu.memory_space<vmem>>)
      tpu.yield
    }) : () -> ()
    %dma_start3A = arith.constant 0 : i32
    %dma_start3A_9 = arith.constant 0 : i32
    %dma_start3A_10 = tpu.memref_slice %arg5[%dma_start3A, %dma_start3A_9] : memref<1048576x128xf32, #tpu.memory_space<hbm>> -> memref<1048576x128xf32, #tpu.memory_space<hbm>>
    tpu.enqueue_indirect_dma source(%arg9 : memref<8x128xf32, #tpu.memory_space<vmem>>) target(%dma_start3A_10 : memref<1048576x128xf32, #tpu.memory_space<hbm>>) offsets(%arg8 : memref<8xi32, #tpu.memory_space<vmem>>) semaphore(%arg12 : memref<!tpu.dma_semaphore, #tpu.memory_space<semaphore_mem>>)
    %dma_wait3A = arith.constant 0 : i32
    %dma_wait3A_11 = arith.constant 0 : i32
    %dma_wait3A_12 = tpu.memref_slice %arg5[%dma_wait3A, %dma_wait3A_11] : memref<1048576x128xf32, #tpu.memory_space<hbm>> -> memref<1048576x128xf32, #tpu.memory_space<hbm>>
    tpu.wait_indirect_dma semaphore(%arg12 : memref<!tpu.dma_semaphore, #tpu.memory_space<semaphore_mem>>) src(%arg9 : memref<8x128xf32, #tpu.memory_space<vmem>>) dst(%dma_wait3A_12 : memref<1048576x128xf32, #tpu.memory_space<hbm>>)
    return
  }
}

</mosaic_0001>

<sc_bundles>
// kernel: kernel.3.cloned.1.call-start
scs
__scs_entry_jumppad:
0x0: {  	(pc) =	sbr.rel $0x88, $3  }
0x1: {  	(tag) =	ssettag $0x0;
	lr =	simm.s32 $0x1  }
0x2: {  	[smem:$0x3F9E] =	sst lr;
	_ =	strace $0xD0000000  }
0x3: {  	_ = 	snop  }
0x4: {  	_ = 	snop  }
0x5: {  	_ = 	snop  }
0x6: {  	_ = 	snop  }
0x7: {  	_ = 	snop  }
__scs_overlays_trampoline_lowered:
0x8: {  	[smem:$0x3FAD] =	sst s0  }
0x9: {  	[smem:$0x3FAE] =	sst s1  }
0xa: {  	[smem:$0x3FAF] =	sst s2  }
0xb: {  	[smem:$0x3FB0] =	sst s3  }
0xc: {  	[smem:$0x3FB1] =	sst s4  }
0xd: {  	[smem:$0x3FB2] =	sst s5  }
0xe: {  	[smem:$0x3FB3] =	sst s6  }
0xf: {  	[smem:$0x3FB4] =	sst s7  }
0x10: {  	[smem:$0x3FB5] =	sst s8  }
0x11: {  	[smem:$0x3FB6] =	sst s9;
	s0 =	simm.s32 @!p0 $0x0  }
0x12: {  	s1 =	sld [smem:$0x3F9C];
	s0 =	simm.s32 @p0 $0x1  }
0x13: {  	[smem:$0x3FB7] =	sst s0;
	s0 =	simm.s32 @!p1 $0x0  }
0x14: {  	s2 =	sld [smem:$0x3F9B];
	s0 =	simm.s32 @p1 $0x1  }
0x15: {  	[smem:$0x3FB8] =	sst s0;
	s0 =	simm.s32 @!p2 $0x0  }
0x16: {  	s3 =	sld [smem:$0x3FDB];
	s0 =	simm.s32 @p2 $0x1  }
0x17: {  	s4 =	simm.s32 $0x1BF5;
	[smem:$0x3FBA] =	sst s0  }
0x18: {  	s0 =	sld [smem:$0x3F9D];
	_ =	swait.ge [sflag:s4], $0x0  }
0x19: {  	s7 =	sld [smem:$0x3F9E]  }
0x1a: {  	s8 =	sadd.s32 $0xFFFFE003, lr  }
0x1b: {  	s9 =	sadd.s32 $0xFFFFFEF7, lr;
	s5 =	simm.s32 $0xFFFFFFFF;
	p2 =	slt.u32 s8, $0xFFFFF086  }
0x1c: {  	p1 =	slt.u32 s9, $0xF7A;
	s5 =	simm.s32 @!p2 $0x0  }
0x1d: {  	s5 =	simm.s32 @p1 $0x1;
	p0 =	seq.s32 s7, s2  }
0x1e: {  	s7 =	smul.u32 @!p0 $0xF7A, s2;
	p2 =	seq.s32 @!p0 s5, $0x0  }
0x1f: {  	s9 =	smul.u32 $0xF7A, s1;
	s8 =	simm.s32 @!p0 $0x1BF5;
	p2 =	por !p2, p0  }
0x20: {  	[sflag:s8] =	ssyncset.s32 @!p0 $0xFFFFF086;
	s6 =	sadd.s32 @!p0 s3, s7;
	s7 =	simm.s32 @!p0 $0x108  }
0x21: {  	s3 =	sadd.s32 s3, s9;
	s6 =	sadd.s32 @!p0 $0x88, s6;
	s7 =	simm.s32 @p2 $0x1082  }
0x22: {  	[simem:s7], [sflag:s8] =	dma.local @!p0 [hbm:s6], $0xF7A  }
0x23: {  	s9 =	sor.u32 $0xD0000000, s2;
	s6 =	simm.s32 $0x108;
	_ =	swait.ge @!p0 [sflag:s8], $0x0  }
0x24: {  	s3 =	sadd.s32 $0x88, s3;
	s6 =	simm.s32 @!p1 $0x1082;
	[sflag:s4] =	ssyncset.s32 $0xFFFFF086  }
0x25: {  	[simem:s6], [sflag:s4] =	dma.local [hbm:s3], $0xF7A  }
0x26: {  	[smem:$0x3F9E] =	sst s1;
	(tag) =	ssettag s2;
	_ =	strace s9  }
0x27: {  	s1 =	sld [smem:$0x3FAE]  }
0x28: {  	s2 =	sld [smem:$0x3FAF]  }
0x29: {  	s4 =	sld [smem:$0x3FB1]  }
0x2a: {  	p0 =	seq.s32 s5, $0x0;
	s5 =	sld [smem:$0x3FB2]  }
0x2b: {  	s6 =	sld [smem:$0x3FB3]  }
0x2c: {  	s7 =	sld [smem:$0x3FB4]  }
0x2d: {  	s3 =	simm.s32 $0x108;
	s8 =	sld [smem:$0x3FB5]  }
0x2e: {  	s3 =	simm.s32 @!p0 $0x1082;
	s9 =	sld [smem:$0x3FB6]  }
0x2f: {  	lr =	sadd.s32 s0, s3;
	s0 =	sld [smem:$0x3FAD]  }
0x30: {  	s3 =	sld [smem:$0x3FB0]  }
0x31: {  	[smem:$0x3FB9] =	sst s10  }
0x32: {  	s10 =	sld [smem:$0x3FB7];
	_ =	sdelay $0x3  }
0x33: {  	p0 =	seq.s32 s10, $0x1;
	s10 =	sld [smem:$0x3FB9];
	_ =	sdelay $0x3  }
0x34: {  	[smem:$0x3FB9] =	sst s10  }
0x35: {  	s10 =	sld [smem:$0x3FB8];
	_ =	sdelay $0x3  }
0x36: {  	p1 =	seq.s32 s10, $0x1;
	s10 =	sld [smem:$0x3FB9];
	_ =	sdelay $0x3  }
0x37: {  	[smem:$0x3FB9] =	sst s10  }
0x38: {  	s10 =	sld [smem:$0x3FBA]  }
0x39: {  	_ = 	snop;
	(pc) =	sbr.ind lr, $3  }
0x3a: {  	_ = 	snop  }
0x3b: {  	_ = 	snop  }
0x3c: {  	p2 =	seq.s32 s10, $0x1;
	s10 =	sld [smem:$0x3FB9]  }
0x3d: {  	_ =	shalt  }
0x3e: {  	_ =	shalt  }
0x3f: {  	_ =	shalt  }
0x40: {  	_ =	shalt  }
0x41: {  	_ =	shalt  }
0x42: {  	_ =	shalt  }
0x43: {  	_ =	shalt  }
0x44: {  	_ =	shalt  }
0x45: {  	_ =	shalt  }
0x46: {  	_ =	shalt  }
0x47: {  	_ =	shalt  }
0x48: {  	_ =	shalt  }
0x49: {  	_ =	shalt  }
0x4a: {  	_ =	shalt  }
0x4b: {  	_ =	shalt  }
0x4c: {  	_ =	shalt  }
0x4d: {  	_ =	shalt  }
0x4e: {  	_ =	shalt  }
0x4f: {  	_ =	shalt  }
0x50: {  	_ =	shalt  }
0x51: {  	_ =	shalt  }
0x52: {  	_ =	shalt  }
0x53: {  	_ =	shalt  }
0x54: {  	_ =	shalt  }
0x55: {  	_ =	shalt  }
0x56: {  	_ =	shalt  }
0x57: {  	_ =	shalt  }
0x58: {  	_ =	shalt  }
0x59: {  	_ =	shalt  }
0x5a: {  	_ =	shalt  }
0x5b: {  	_ =	shalt  }
0x5c: {  	_ =	shalt  }
0x5d: {  	_ =	shalt  }
0x5e: {  	_ =	shalt  }
0x5f: {  	_ =	shalt  }
0x60: {  	_ =	shalt  }
0x61: {  	_ =	shalt  }
0x62: {  	_ =	shalt  }
0x63: {  	_ =	shalt  }
0x64: {  	_ =	shalt  }
0x65: {  	_ =	shalt  }
0x66: {  	_ =	shalt  }
0x67: {  	_ =	shalt  }
0x68: {  	_ =	shalt  }
0x69: {  	_ =	shalt  }
0x6a: {  	_ =	shalt  }
0x6b: {  	_ =	shalt  }
0x6c: {  	_ =	shalt  }
0x6d: {  	_ =	shalt  }
0x6e: {  	_ =	shalt  }
0x6f: {  	_ =	shalt  }
0x70: {  	_ =	shalt  }
0x71: {  	_ =	shalt  }
0x72: {  	_ =	shalt  }
0x73: {  	_ =	shalt  }
0x74: {  	_ =	shalt  }
0x75: {  	_ =	shalt  }
0x76: {  	_ =	shalt  }
0x77: {  	_ =	shalt  }
0x78: {  	_ =	shalt  }
0x79: {  	_ =	shalt  }
0x7a: {  	_ =	shalt  }
0x7b: {  	_ =	shalt  }
0x7c: {  	_ =	shalt  }
0x7d: {  	_ =	shalt  }
0x7e: {  	_ =	shalt  }
0x7f: {  	_ =	shalt  }
0x80: {  	_ =	shalt  }
0x81: {  	_ =	shalt  }
0x82: {  	_ =	shalt  }
0x83: {  	_ =	shalt  }
0x84: {  	_ =	shalt  }
0x85: {  	_ =	shalt  }
0x86: {  	_ =	shalt  }
0x87: {  	_ =	shalt  }
.Lfunc_end0:
.L_simem_size_0:
called_computation_lowered:
.L_overlay_start_0:
0x88: {  	s2 =	sld [smem:$0x3FD9]  }
0x89: {  	s3 =	sld [smem:$0x3FFE];
	_ =	sdelay $0x1  }
0x8a: {  	s1 =	srdreg.scid  }
0x8b: {  	s0 =	sand.u32 $0x1, s1  }
0x8c: {  	s17 =	sshll.u32 s0, $0xA;
	s2 =	sadd.s32 s3, s2  }
0x8d: {  	s2 =	sadd.s32 s2, s17  }
0x8e: {  	[smem:$0x3FC5] =	sst s2  }
0x8f: {  	_ = 	snop  }
0x90: {  	s2 =	sld [smem:$0x3FC9]  }
0x91: {  	s18 =	sld [smem:$0x3FC7]  }
0x92: {  	s4 =	sld [smem:$0x3FD0];
	(tm) =	ssettm $0x1  }
0x93: {  	s5 =	sld [smem:$0x3FFB];
	_ =	sdelay $0x3  }
0x94: {  	_ =	strace s5  }
0x95: {  	s5 =	sld [smem:$0x3FFC];
	_ =	sdelay $0x3  }
0x96: {  	_ =	strace s5  }
0x97: {  	s5 =	sld [smem:$0x3FFD];
	_ =	sdelay $0x3  }
0x98: {  	_ =	strace s5  }
0x99: {  	_ =	strace $0x8FFFFFFF  }
0x9a: {  	s19 =	sld [smem:$0x3FDB];
	_ =	sdelay $0x1  }
0x9b: {  	s6 =	simm.s32 $_scs_section_size  }
0x9c: {  	s7 =	simm.s32 $_size__tile_overlayer_lowered;
	s8 =	simm.s32 $_tile_overlayer_lowered  }
0x9d: {  	s22 =	simm.s32 $0x1BFF;
	s21 =	sshll.u32 s8, $0x1;
	s5 =	sadd.s32 s6, s19  }
0x9e: {  	s9 =	simm.s32 $0x0;
	s20 =	sshll.u32 s7, $0x1;
	s7 =	sadd.s32 s21, s5  }
0x9f: {  	[timem:s9], [sflag:s22] =	dma.local [hbm:s7], s20  }
0xa0: {  	_ =	swait.ge [sflag:s22], s20  }
0xa1: {  	s6 =	ssub.s32 $0x0, s20;
	[sflag:s22] =	ssyncset.done $0x0  }
0xa2: {  	[sflag:s22] =	ssyncadd.s32 s6;
	_ =	sdelay $0x1  }
0xa3: {  	s23 =	simm.s32 $0x1B8B  }
0xa4: {  	_ =	swait.ge [sflag:s23], $0x1  }
0xa5: {  	[sflag:s23] =	ssyncset.done $0x0  }
0xa6: {  	s25 =	simm.s32 $0x1B8E;
	s24 =	sld [smem:$0x3FFE];
	[sflag:s23] =	ssyncadd.s32 $0xFFFFFFFF  }
0xa7: {  	s26 =	simm.s32 $execute0_lowered;
	[smem:$0x3FD2] =	sst s25  }
0xa8: {  	s7 =	sshll.u32 s26, $0x1;
	_ =	strace $0x80000046;
	[dreg:$0x1] =	wrdreg $0xFFFFFFFF  }
0xa9: {  	s28 =	simm.s32 $_size_execute0_lowered;
	s5 =	sadd.s32 s5, s7;
	[dreg:$0x0] =	wrdreg $0x0  }
0xaa: {  	s7 =	sshll.u32 s28, $0x1;
	[dreg:$0x2] =	wrdreg s5  }
0xab: {  	[dreg:$0x3] =	wrdreg s7  }
0xac: {  	[dreg:$0x4] =	wrdreg $0xC0  }
0xad: {  	_ =	task [dreg:s9], $0x5FFFF  }
0xae: {  	[dreg:$0x1] =	wrdreg $0xFFFFFFFF  }
0xaf: {  	[dreg:$0x0] =	wrdreg $0x60  }
0xb0: {  	[dreg:$0x2] =	wrdreg s18  }
0xb1: {  	[dreg:$0x3] =	wrdreg s2  }
0xb2: {  	[dreg:$0x4] =	wrdreg s24  }
0xb3: {  	[dreg:$0x5] =	wrdreg s4  }
0xb4: {  	[dreg:$0x6] =	wrdreg $0x9  }
0xb5: {  	_ =	task.clear_ibuf [dreg:s9], $0x7FFFF;
	_ =	strace $0x90000046  }
0xb6: {  	s29 =	simm.s32 $0x9;
	_ =	strace $0x80000048  }
0xb7: {  	_ =	swait.ge [sflag:s29], $0x1  }
0xb8: {  	[sflag:s29] =	ssyncadd.s32 $0xFFFFFFFF  }
0xb9: {  	_ =	strace $0x90000048  }
0xba: {  	_ =	sfence  }
0xbb: {  	s30 =	sld [smem:$0x0];
	_ =	sdelay $0x2  }
0xbc: {  	s31 =	sshll.u32 s1, $0xD;
	s1 =	sshrl.u32 s1, $0x2  }
0xbd: {  	s3 =	sand.u32 $0x4000, s31;
	s1 =	sadd.s32 s1, s30  }
0xbe: {  	s0 =	sor.u32 s3, s0;
	s1 =	sshll.u32 s1, $0x11  }
0xbf: {  	s0 =	sor.u32 s1, s0  }
0xc0: {  	s0 =	sadd.s32 $0x8F2B, s0  }
0xc1: {  	[sflag:s0] =	ssyncadd.remote.s32 $0x1  }
0xc2: {  	_ =	sfence.sel $0xFFFF  }
0xc3: {  	[dreg:$0x0] =	wrdreg $0xFFFFFFFF;
	(pc) =	sbr.abs _section_cstart, $3  }
0xc4: {  	[dreg:$0x1] =	wrdreg $0xFFFFFFFF  }
0xc5: {  	_ =	task.clear_ibuf [dreg:s9], $0x2FFFF;
	_ =	strace $0x9FFFFFFF  }
0xc6: {  	(tm) =	ssettm $0x7FFFFFFF  }
0xc7: {  	_ =	shalt  }
tec
execute0_lowered:
.L_overlay_start_1:
0x0: {  	(tag) =	ssettag $0x1  }
0x1: {  	s6 =	rddreg [dreg:$0x0]  }
0x2: {  	s5 =	rddreg [dreg:$0x1]  }
0x3: {  	s4 =	rddreg [dreg:$0x2]  }
0x4: {  	s2 =	rddreg [dreg:$0x3];
	s3 =	srdreg.scid  }
0x5: {  	s0 =	rddreg [dreg:$0x4];
	s1 =	stileid.u32;
	s12 =	simm.s32 $0x3  }
0x6: {  	s13 =	simm.s32 $0x4;
	s14 =	simm.s32 $0x10000;
	s15 =	simm.s32 $0x6  }
0x7: {  	s16 =	simm.s32 $0x10080;
	s17 =	simm.s32 $0x8;
	s18 =	simm.s32 $0x5  }
0x8: {  	s19 =	simm.s32 $0x0;
	s7 =	sand.u32 $0x1, s3;
	s3 =	simm.s32 $0x0  }
0x9: {  	s8 =	sshll.u32 s1, $0x1;
	s29 =	sshll.u32 s1, $0x14;
	s9 =	ssub.s32 $0x2, s7  }
0xa: {  	[smem:$0x7FF] =	sst s3;
	s8 =	sor.u32 s7, s8;
	s30 =	sadd.s32 s29, s6  }
0xb: {  	s11 =	sshll.u32 s7, $0x13;
	s31 =	sadd.s32 s29, s2;
	s10 =	sshrl.u32 s9, $0x1  }
0xc: {  	_ =	strace $0x80000047;
	s4 =	sadd.s32 s8, s4;
	s8 =	sshll.u32 s8, $0x7  }
0xd: {  	s7 =	sadd.s32 s11, s30;
	s9 =	ssub.s32 s9, s10;
	s4 =	sadd.s32 $0x400, s4  }
0xe: {  	s5 =	sadd.s32 s5, s8;
	s8 =	sadd.s32 s11, s31;
	s10 =	simm.s32 $0x1  }
0xf: {  	s11 =	simm.s32 $0x2;
	s6 =	smax.u32 s9, $0x1;
	s9 =	simm.s32 $0x8000  }
.LBB2_1:
0x10: {  	s20 =	sadd.s32 $0x0, s7  }
0x11: {  	[tilespmem:s3], [sflag:$0x1] =	stream.linear.gather [hbm4b:s20+s3], $0x8000, $0x38;
	[tilespmem:$0x10480] =	vst v63  }
0x12: {  	s20 =	sadd.s32 $0x1000, s20  }
0x13: {  	[tilespmem:s9], [sflag:$0x2] =	stream.linear.gather [hbm4b:s20+s3], $0x8000, $0x38;
	[tilespmem:$0x10480] =	vst v63  }
0x14: {  	_ =	swait.ge [sflag:s10], $0x8000  }
0x15: {  	[sflag:s10] =	ssyncset.done $0x0  }
0x16: {  	[sflag:s10] =	ssyncadd.s32 $0xFFFF8000  }
0x17: {  	_ =	swait.ge [sflag:s11], $0x8000  }
0x18: {  	[sflag:s11] =	ssyncset.done $0x0  }
0x19: {  	s31 =	sadd.s32 $0x0, s8;
	[sflag:s11] =	ssyncadd.s32 $0xFFFF8000  }
0x1a: {  	[hbm4b:s31+s3] =	stream.linear.scatter [tilespmem:s3], [sflag:$0x3], $0x8000, $0x38;
	[tilespmem:$0x10480] =	vst v63  }
0x1b: {  	s20 =	sadd.s32 $0x1000, s31  }
0x1c: {  	[hbm4b:s20+s3] =	stream.linear.scatter [tilespmem:s9], [sflag:$0x4], $0x8000, $0x38;
	[tilespmem:$0x10480] =	vst v63  }
0x1d: {  	_ =	swait.ge [sflag:s12], $0x8000  }
0x1e: {  	[sflag:s12] =	ssyncset.done $0x0  }
0x1f: {  	[sflag:s12] =	ssyncadd.s32 $0xFFFF8000  }
0x20: {  	_ =	swait.ge [sflag:s13], $0x8000  }
0x21: {  	s21 =	simm.s32 $0x4000;
	s20 =	simm.s32 $0x2000;
	[sflag:s13] =	ssyncset.done $0x0  }
.LBB2_2:
0x22: {  	s22 =	sadd.s32 s20, s7  }
0x23: {  	[sflag:s13] =	ssyncadd.s32 $0xFFFF8000;
	s23 =	smov.u32 s21;
	s24 =	sadd.s32 $0x2000, s21  }
0x24: {  	[tilespmem:s3], [sflag:$0x1] =	stream.linear.gather [hbm4b:s22+s3], $0x8000, $0x38;
	[tilespmem:$0x10480] =	vst v63  }
0x25: {  	p0 =	sne.s32 s21, $0x7E000;
	s21 =	sadd.s32 $0x1000, s22  }
0x26: {  	[tilespmem:s9], [sflag:$0x2] =	stream.linear.gather [hbm4b:s21+s3], $0x8000, $0x38;
	[tilespmem:$0x10480] =	vst v63  }
0x27: {  	_ =	swait.ge [sflag:s10], $0x8000  }
0x28: {  	[sflag:s10] =	ssyncset.done $0x0  }
0x29: {  	[sflag:s10] =	ssyncadd.s32 $0xFFFF8000  }
0x2a: {  	_ =	swait.ge [sflag:s11], $0x8000  }
0x2b: {  	[sflag:s11] =	ssyncset.done $0x0  }
0x2c: {  	s21 =	sadd.s32 s20, s8;
	s20 =	smov.u32 s23;
	[sflag:s11] =	ssyncadd.s32 $0xFFFF8000  }
0x2d: {  	[hbm4b:s21+s3] =	stream.linear.scatter [tilespmem:s3], [sflag:$0x3], $0x8000, $0x38;
	[tilespmem:$0x10480] =	vst v63  }
0x2e: {  	s21 =	sadd.s32 $0x1000, s21  }
0x2f: {  	[hbm4b:s21+s3] =	stream.linear.scatter [tilespmem:s9], [sflag:$0x4], $0x8000, $0x38;
	[tilespmem:$0x10480] =	vst v63  }
.Ltmp0:
0x30: {  	_ =	swait.ge [sflag:s12], $0x8000;
	(pc) =	sbr.rel @p0 .LBB2_2-.Ltmp0, $4  }
0x31: {  	[sflag:s12] =	ssyncset.done $0x0  }
0x32: {  	[sflag:s12] =	ssyncadd.s32 $0xFFFF8000  }
0x33: {  	_ =	swait.ge [sflag:s13], $0x8000  }
0x34: {  	s21 =	smov.u32 s24;
	[sflag:s13] =	ssyncset.done $0x0  }
0x35: {  	s21 =	sadd.s32 s20, s7;
	[sflag:s13] =	ssyncadd.s32 $0xFFFF8000  }
0x36: {  	[tilespmem:s3], [sflag:$0x1] =	stream.linear.gather [hbm4b:s21+s3], $0x8000, $0x38;
	[tilespmem:$0x10480] =	vst v63  }
0x37: {  	s21 =	sadd.s32 $0x1000, s21  }
0x38: {  	[tilespmem:s9], [sflag:$0x2] =	stream.linear.gather [hbm4b:s21+s3], $0x8000, $0x38;
	[tilespmem:$0x10480] =	vst v63  }
0x39: {  	_ =	swait.ge [sflag:s10], $0x8000  }
0x3a: {  	[sflag:s10] =	ssyncset.done $0x0  }
0x3b: {  	[sflag:s10] =	ssyncadd.s32 $0xFFFF8000  }
0x3c: {  	_ =	swait.ge [sflag:s11], $0x8000  }
0x3d: {  	[sflag:s11] =	ssyncset.done $0x0  }
0x3e: {  	s31 =	sadd.s32 s20, s8;
	[sflag:s11] =	ssyncadd.s32 $0xFFFF8000  }
0x3f: {  	[hbm4b:s31+s3] =	stream.linear.scatter [tilespmem:s3], [sflag:$0x3], $0x8000, $0x38;
	[tilespmem:$0x10480] =	vst v63  }
0x40: {  	s20 =	sadd.s32 $0x1000, s31  }
0x41: {  	[hbm4b:s20+s3] =	stream.linear.scatter [tilespmem:s9], [sflag:$0x4], $0x8000, $0x38;
	[tilespmem:$0x10480] =	vst v63  }
0x42: {  	_ =	swait.ge [sflag:s12], $0x8000  }
0x43: {  	[sflag:s12] =	ssyncset.done $0x0  }
0x44: {  	[sflag:s12] =	ssyncadd.s32 $0xFFFF8000  }
0x45: {  	_ =	swait.ge [sflag:s13], $0x8000  }
0x46: {  	[sflag:s13] =	ssyncset.done $0x0  }
0x47: {  	[sflag:s13] =	ssyncadd.s32 $0xFFFF8000  }
0x48: {  	[tilespmem:s14], [sflag:$0x6] =	stream.linear.gather [hbm4b:s4+s3], $0x8, $0x38;
	[tilespmem:$0x10480] =	vst v63  }
0x49: {  	_ =	swait.ge [sflag:s15], $0x8  }
0x4a: {  	[sflag:s15] =	ssyncset.done $0x0  }
0x4b: {  	[sflag:s15] =	ssyncadd.s32 $0xFFFFFFF8  }
0x4c: {  	[tilespmem:s16], [sflag:$0x6] =	stream.linear.gather [hbm4b:s5+s3], $0x400, $0x38;
	[tilespmem:$0x10480] =	vst v63  }
0x4d: {  	s19 =	sadd.s32 $0x1, s19;
	_ =	swait.ge [sflag:s15], $0x400  }
0x4e: {  	p0 =	sne.s32 s19, s6;
	[sflag:s15] =	ssyncset.done $0x0  }
.Ltmp1:
0x4f: {  	[sflag:s15] =	ssyncadd.s32 $0xFFFFFC00;
	(pc) =	sbr.rel @p0 .LBB2_1-.Ltmp1, $4  }
0x50: {  	[hbm4b:s2+s17] =	stream.indirect.scatter [tilespmem:s16], [sflag:$0x5], $0x80, s14, s17, $0xb8;
	[tilespmem:$0x10480] =	vst v63  }
0x51: {  	_ =	swait.ge [sflag:s18], $0x400  }
0x52: {  	[sflag:s18] =	ssyncset.done $0x0  }
0x53: {  	[sflag:s18] =	ssyncadd.s32 $0xFFFFFC00  }
0x54: {  	_ =	sfence.sel $0x180000  }
0x55: {  	[bflag:$0x0] =	sbarrier.arrive $0xFFFF  }
0x56: {  	p0 =	sne.s32 s1, $0x0;
	_ =	strace $0x90000047  }
0x57: {  	s0 =	sadd.s32 @!p0 $0x100000, s0;
	[bflag:$0x2] =	sbarrier.arrive $0xFFFF  }
0x58: {  	[sflag:s0] =	ssyncadd.tile.s32 @!p0 $0x1;
	_ =	shalt  }
.Lfunc_end2:
_tile_overlayer_lowered:
.L_overlay_start_2:
0x59: {  	(tag) =	ssettag $0x2  }
0x5a: {  	s0 =	rddreg [dreg:$0x0];
	s2 =	stileid.u32  }
0x5b: {  	s1 =	rddreg [dreg:$0x1];
	p0 =	sne.s32 s2, $0x0  }
0x5c: {  	s3 =	rddreg [dreg:$0x2];
	[bflag:$0x3] =	sbarrier.arrive $0xFFFF;
	s2 =	simm.s32 @!p0 $0x1C06  }
0x5d: {  	[timem:s3], [sflag:s2] =	dma.local @!p0 [hbm:s0], s1  }
0x5e: {  	s0 =	simm.s32 @!p0 $0x6  }
0x5f: {  	_ =	swait.ge @!p0 [sflag:s0], s1  }
0x60: {  	s1 =	ssub.s32 @!p0 $0x0, s1;
	[sflag:s0] =	ssyncset.done @!p0 $0x0  }
0x61: {  	[sflag:s0] =	ssyncadd.s32 @!p0 s1  }
0x62: {  	[bflag:$0x3] =	sbarrier.arrive $0xFFFF  }
0x63: {  	_ =	shalt  }

</sc_bundles>
